<compile_context>
chip_gen: v7x
topology: tpu7x:2x2x1
jax: 0.10.2.dev20260603
libtpu: 0.0.44.dev20260713+nightly
codegen_flags: <defaults>
</compile_context>

<pallas_src>
import functools

import jax
import jax.numpy as jnp
from jax import lax
from jax.experimental import pallas as pl
from jax.experimental.pallas import tpu as pltpu
from jax.experimental.pallas import tpu_sc as plsc


def _add_body(m_ref, md_ref, r_ref, rd_ref, mo_ref, ro_ref):
    mo_ref[...] = m_ref[...] + md_ref[...]
    ro_ref[...] = r_ref[...] + rd_ref[...]


_N = 1000000
_W = 5376
_S = _N // _W
_COVER = _S * _W
_NW = 32
_NIT = (_S + _NW - 1) // _NW
_RING = 3


def _scales_sc_copy(n):
    mesh = plsc.VectorSubcoreMesh(core_axis_name="c", subcore_axis_name="s")

    @functools.partial(
        pl.kernel,
        mesh=mesh,
        out_type=jax.ShapeDtypeStruct((3, n), jnp.float32),
        scratch_types=(
            [pltpu.VMEM((3, _W), jnp.float32) for _ in range(_RING)]
            + [pltpu.SemaphoreType.DMA for _ in range(2 * _RING)]
        ),
    )
    def scopy(s_hbm, out_hbm, *scratch):
        buf = scratch[0:_RING]
        si = scratch[_RING : 2 * _RING]
        so = scratch[2 * _RING : 3 * _RING]
        wid = lax.axis_index("s") * 2 + lax.axis_index("c")

        def in_args(it):
            k = it % _RING
            g = it * _NW + wid
            return g, (s_hbm.at[:, pl.ds(g * _W, _W)], buf[k], si[k])

        def out_args(it):
            k = it % _RING
            g = it * _NW + wid
            return g, (buf[k], out_hbm.at[:, pl.ds(g * _W, _W)], so[k])

        def guarded(it, args_fn, method):
            g, args = args_fn(it)

            @pl.when(g < _S)
            def _():
                getattr(pltpu.make_async_copy(*args), method)()

        guarded(0, in_args, "start")
        guarded(1, in_args, "start")
        for it in range(_NIT):
            guarded(it, in_args, "wait")
            guarded(it, out_args, "start")
            nxt = it + 2
            if nxt < _NIT:
                if it - 1 >= 0:
                    guarded(it - 1, out_args, "wait")
                guarded(nxt, in_args, "start")
        for it in range(max(_NIT - 3, 0), _NIT):
            guarded(it, out_args, "wait")

    return scopy


def kernel(means, scales, rot, means_def, rot_def):
    n = means.shape[0]
    B = 32768
    g = pl.cdiv(n, B)
    bs3 = pl.BlockSpec((3, B), lambda i: (0, i))
    bs4 = pl.BlockSpec((4, B), lambda i: (0, i))
    mo_t, ro_t = pl.pallas_call(
        _add_body,
        grid=(g,),
        in_specs=[bs3, bs3, bs4, bs4],
        out_specs=[bs3, bs4],
        out_shape=[
            jax.ShapeDtypeStruct((3, n), means.dtype),
            jax.ShapeDtypeStruct((4, n), rot.dtype),
        ],
    )(means.T, means_def.T, rot.T, rot_def.T)
    so_t = _scales_sc_copy(n)(scales.T)
    so = lax.dynamic_update_slice(so_t.T, scales[_COVER:], (_COVER, 0))
    return (mo_t.T, so, ro_t.T)

# --- scband reference (transcript-rebuilt; emitter-appended) ---
"""Pipeline reference for scband-explicit-deformation-63247688400936 (READ-ONLY COPY).

The authoritative reference and input builder live on the scoring server;
editing this copy changes nothing except your own understanding.
"""

import jax, jax.numpy as jnp
import numpy as np

N = 1000000

def setup_inputs(seed: int = 0) -> dict:
    key = jax.random.key(seed)
    k1, k2, k3 = jax.random.split(key, 3)
    means = jax.random.normal(k1, (N, 3), dtype=jnp.float32)
    scales = jax.random.uniform(k2, (N, 3), dtype=jnp.float32)
    rot = jax.random.normal(k3, (N, 4), dtype=jnp.float32)
    # Learned parameters of ExplicitDeformation, sized to match the N gaussians
    # (in the torch module these are grown via add_gaussians(N) and init to zeros).
    means_def = jnp.zeros((N, 3), dtype=jnp.float32)
    rot_def = jnp.zeros((N, 4), dtype=jnp.float32)
    return {"means": means, "scales": scales, "rot": rot, "means_def": means_def, "rot_def": rot_def}

def reference(means, scales, rot, means_def, rot_def):
    # Faithful translation of ExplicitDeformation.forward:
    #   means = means + self.means_def
    #   rot   = rot + self.rot_def
    #   (caching of detached tensors is a training-time side effect, not part of output)
    means_out = means + means_def
    rot_out = rot + rot_def
    return (means_out, scales, rot_out)

if __name__ == "__main__":
    import jax
    _d = setup_inputs()
    print(jax.jit(kernel)(*tuple(_d.values())))

</pallas_src>

<mosaic_0001>
#map = affine_map<(d0, d1) -> (0, 0)>
module attributes {stable_mosaic.version = 14 : i64} {
  func.func @scopy(%arg0: i32, %arg1: i32, %arg2: memref<3x1000000xf32, #tpu.memory_space<hbm>>, %arg3: memref<3x1000000xf32, #tpu.memory_space<hbm>>, %arg4: memref<3x5376xf32, #tpu.memory_space<vmem>>, %arg5: memref<3x5376xf32, #tpu.memory_space<vmem>>, %arg6: memref<3x5376xf32, #tpu.memory_space<vmem>>, %arg7: memref<!tpu.dma_semaphore, #tpu.memory_space<semaphore_mem>>, %arg8: memref<!tpu.dma_semaphore, #tpu.memory_space<semaphore_mem>>, %arg9: memref<!tpu.dma_semaphore, #tpu.memory_space<semaphore_mem>>, %arg10: memref<!tpu.dma_semaphore, #tpu.memory_space<semaphore_mem>>, %arg11: memref<!tpu.dma_semaphore, #tpu.memory_space<semaphore_mem>>, %arg12: memref<!tpu.dma_semaphore, #tpu.memory_space<semaphore_mem>>) attributes {dimension_semantics = [#tpu.dimension_semantics<core_parallel>, #tpu.dimension_semantics<subcore_parallel>], iteration_bounds = array<i64: 2, 16>, scalar_prefetch = 0 : i64, scratch_operands = 9 : i64, tpu.core_type = #tpu.core_type<sc_vector_subcore>, window_params = [{transform_indices = #map}, {transform_indices = #map}]} {
    %mul3A = arith.constant 2 : i32
    %mul3A_0 = arith.muli %arg1, %mul3A : i32
    %add3A = arith.addi %mul3A_0, %arg0 : i32
    %add3A_1 = arith.constant 0 : i32
    %add3A_2 = arith.addi %add3A_1, %add3A : i32
    %mul3A_3 = arith.constant 5376 : i32
    %mul3A_4 = arith.muli %add3A_2, %mul3A_3 : i32
    %lt3A = arith.constant 186 : i32
    %lt3A_5 = arith.cmpi slt, %add3A_2, %lt3A : i32
    %convert_element_type3A = arith.extui %lt3A_5 : i1 to i32
    %cond3A = arith.constant 0 : i32
    %cond3A_6 = arith.cmpi ne, %convert_element_type3A, %cond3A : i32
    scf.if %cond3A_6 {
      %dma_start3A = arith.constant 0 : i32
      %dma_start3A_214 = tpu.memref_slice %arg2[%dma_start3A, %mul3A_4] : memref<3x1000000xf32, #tpu.memory_space<hbm>> -> memref<3x5376xf32, #tpu.memory_space<hbm>>
      %dma_start3A_215 = arith.constant 0 : i32
      %dma_start3A_216 = tpu.memref_slice %arg2[%dma_start3A_215, %mul3A_4] : memref<3x1000000xf32, #tpu.memory_space<hbm>> -> memref<3x5376xf32, #tpu.memory_space<hbm>>
      tpu.enqueue_dma source(%dma_start3A_216 : memref<3x5376xf32, #tpu.memory_space<hbm>>) target(%arg4 : memref<3x5376xf32, #tpu.memory_space<vmem>>) target_semaphore(%arg7 : memref<!tpu.dma_semaphore, #tpu.memory_space<semaphore_mem>>)
    } else {
    }
    %add3A_7 = arith.constant 32 : i32
    %add3A_8 = arith.addi %add3A_7, %add3A : i32
    %mul3A_9 = arith.constant 5376 : i32
    %mul3A_10 = arith.muli %add3A_8, %mul3A_9 : i32
    %lt3A_11 = arith.constant 186 : i32
    %lt3A_12 = arith.cmpi slt, %add3A_8, %lt3A_11 : i32
    %convert_element_type3A_13 = arith.extui %lt3A_12 : i1 to i32
    %cond3A_14 = arith.constant 0 : i32
    %cond3A_15 = arith.cmpi ne, %convert_element_type3A_13, %cond3A_14 : i32
    scf.if %cond3A_15 {
      %dma_start3A = arith.constant 0 : i32
      %dma_start3A_214 = tpu.memref_slice %arg2[%dma_start3A, %mul3A_10] : memref<3x1000000xf32, #tpu.memory_space<hbm>> -> memref<3x5376xf32, #tpu.memory_space<hbm>>
      %dma_start3A_215 = arith.constant 0 : i32
      %dma_start3A_216 = tpu.memref_slice %arg2[%dma_start3A_215, %mul3A_10] : memref<3x1000000xf32, #tpu.memory_space<hbm>> -> memref<3x5376xf32, #tpu.memory_space<hbm>>
      tpu.enqueue_dma source(%dma_start3A_216 : memref<3x5376xf32, #tpu.memory_space<hbm>>) target(%arg5 : memref<3x5376xf32, #tpu.memory_space<vmem>>) target_semaphore(%arg8 : memref<!tpu.dma_semaphore, #tpu.memory_space<semaphore_mem>>)
    } else {
    }
    %add3A_16 = arith.constant 0 : i32
    %add3A_17 = arith.addi %add3A_16, %add3A : i32
    %mul3A_18 = arith.constant 5376 : i32
    %mul3A_19 = arith.muli %add3A_17, %mul3A_18 : i32
    %lt3A_20 = arith.constant 186 : i32
    %lt3A_21 = arith.cmpi slt, %add3A_17, %lt3A_20 : i32
    %convert_element_type3A_22 = arith.extui %lt3A_21 : i1 to i32
    %cond3A_23 = arith.constant 0 : i32
    %cond3A_24 = arith.cmpi ne, %convert_element_type3A_22, %cond3A_23 : i32
    scf.if %cond3A_24 {
      %dma_wait3A = arith.constant 0 : i32
      %dma_wait3A_214 = tpu.memref_slice %arg2[%dma_wait3A, %mul3A_19] : memref<3x1000000xf32, #tpu.memory_space<hbm>> -> memref<3x5376xf32, #tpu.memory_space<hbm>>
      %dma_wait3A_215 = arith.constant 0 : i32
      %dma_wait3A_216 = tpu.memref_slice %arg2[%dma_wait3A_215, %mul3A_19] : memref<3x1000000xf32, #tpu.memory_space<hbm>> -> memref<3x5376xf32, #tpu.memory_space<hbm>>
      tpu.wait_dma2 semaphore(%arg7 : memref<!tpu.dma_semaphore, #tpu.memory_space<semaphore_mem>>) src(%dma_wait3A_216 : memref<3x5376xf32, #tpu.memory_space<hbm>>) dst(%arg4 : memref<3x5376xf32, #tpu.memory_space<vmem>>)
    } else {
    }
    %add3A_25 = arith.constant 0 : i32
    %add3A_26 = arith.addi %add3A_25, %add3A : i32
    %mul3A_27 = arith.constant 5376 : i32
    %mul3A_28 = arith.muli %add3A_26, %mul3A_27 : i32
    %lt3A_29 = arith.constant 186 : i32
    %lt3A_30 = arith.cmpi slt, %add3A_26, %lt3A_29 : i32
    %convert_element_type3A_31 = arith.extui %lt3A_30 : i1 to i32
    %cond3A_32 = arith.constant 0 : i32
    %cond3A_33 = arith.cmpi ne, %convert_element_type3A_31, %cond3A_32 : i32
    scf.if %cond3A_33 {
      %dma_start3A = arith.constant 0 : i32
      %dma_start3A_214 = tpu.memref_slice %arg3[%dma_start3A, %mul3A_28] : memref<3x1000000xf32, #tpu.memory_space<hbm>> -> memref<3x5376xf32, #tpu.memory_space<hbm>>
      %dma_start3A_215 = arith.constant 0 : i32
      %dma_start3A_216 = tpu.memref_slice %arg3[%dma_start3A_215, %mul3A_28] : memref<3x1000000xf32, #tpu.memory_space<hbm>> -> memref<3x5376xf32, #tpu.memory_space<hbm>>
      tpu.enqueue_dma source(%arg4 : memref<3x5376xf32, #tpu.memory_space<vmem>>) target(%dma_start3A_216 : memref<3x5376xf32, #tpu.memory_space<hbm>>) target_semaphore(%arg10 : memref<!tpu.dma_semaphore, #tpu.memory_space<semaphore_mem>>)
    } else {
    }
    %add3A_34 = arith.constant 64 : i32
    %add3A_35 = arith.addi %add3A_34, %add3A : i32
    %mul3A_36 = arith.constant 5376 : i32
    %mul3A_37 = arith.muli %add3A_35, %mul3A_36 : i32
    %lt3A_38 = arith.constant 186 : i32
    %lt3A_39 = arith.cmpi slt, %add3A_35, %lt3A_38 : i32
    %convert_element_type3A_40 = arith.extui %lt3A_39 : i1 to i32
    %cond3A_41 = arith.constant 0 : i32
    %cond3A_42 = arith.cmpi ne, %convert_element_type3A_40, %cond3A_41 : i32
    scf.if %cond3A_42 {
      %dma_start3A = arith.constant 0 : i32
      %dma_start3A_214 = tpu.memref_slice %arg2[%dma_start3A, %mul3A_37] : memref<3x1000000xf32, #tpu.memory_space<hbm>> -> memref<3x5376xf32, #tpu.memory_space<hbm>>
      %dma_start3A_215 = arith.constant 0 : i32
      %dma_start3A_216 = tpu.memref_slice %arg2[%dma_start3A_215, %mul3A_37] : memref<3x1000000xf32, #tpu.memory_space<hbm>> -> memref<3x5376xf32, #tpu.memory_space<hbm>>
      tpu.enqueue_dma source(%dma_start3A_216 : memref<3x5376xf32, #tpu.memory_space<hbm>>) target(%arg6 : memref<3x5376xf32, #tpu.memory_space<vmem>>) target_semaphore(%arg9 : memref<!tpu.dma_semaphore, #tpu.memory_space<semaphore_mem>>)
    } else {
    }
    %add3A_43 = arith.constant 32 : i32
    %add3A_44 = arith.addi %add3A_43, %add3A : i32
    %mul3A_45 = arith.constant 5376 : i32
    %mul3A_46 = arith.muli %add3A_44, %mul3A_45 : i32
    %lt3A_47 = arith.constant 186 : i32
    %lt3A_48 = arith.cmpi slt, %add3A_44, %lt3A_47 : i32
    %convert_element_type3A_49 = arith.extui %lt3A_48 : i1 to i32
    %cond3A_50 = arith.constant 0 : i32
    %cond3A_51 = arith.cmpi ne, %convert_element_type3A_49, %cond3A_50 : i32
    scf.if %cond3A_51 {
      %dma_wait3A = arith.constant 0 : i32
      %dma_wait3A_214 = tpu.memref_slice %arg2[%dma_wait3A, %mul3A_46] : memref<3x1000000xf32, #tpu.memory_space<hbm>> -> memref<3x5376xf32, #tpu.memory_space<hbm>>
      %dma_wait3A_215 = arith.constant 0 : i32
      %dma_wait3A_216 = tpu.memref_slice %arg2[%dma_wait3A_215, %mul3A_46] : memref<3x1000000xf32, #tpu.memory_space<hbm>> -> memref<3x5376xf32, #tpu.memory_space<hbm>>
      tpu.wait_dma2 semaphore(%arg8 : memref<!tpu.dma_semaphore, #tpu.memory_space<semaphore_mem>>) src(%dma_wait3A_216 : memref<3x5376xf32, #tpu.memory_space<hbm>>) dst(%arg5 : memref<3x5376xf32, #tpu.memory_space<vmem>>)
    } else {
    }
    %add3A_52 = arith.constant 32 : i32
    %add3A_53 = arith.addi %add3A_52, %add3A : i32
    %mul3A_54 = arith.constant 5376 : i32
    %mul3A_55 = arith.muli %add3A_53, %mul3A_54 : i32
    %lt3A_56 = arith.constant 186 : i32
    %lt3A_57 = arith.cmpi slt, %add3A_53, %lt3A_56 : i32
    %convert_element_type3A_58 = arith.extui %lt3A_57 : i1 to i32
    %cond3A_59 = arith.constant 0 : i32
    %cond3A_60 = arith.cmpi ne, %convert_element_type3A_58, %cond3A_59 : i32
    scf.if %cond3A_60 {
      %dma_start3A = arith.constant 0 : i32
      %dma_start3A_214 = tpu.memref_slice %arg3[%dma_start3A, %mul3A_55] : memref<3x1000000xf32, #tpu.memory_space<hbm>> -> memref<3x5376xf32, #tpu.memory_space<hbm>>
      %dma_start3A_215 = arith.constant 0 : i32
      %dma_start3A_216 = tpu.memref_slice %arg3[%dma_start3A_215, %mul3A_55] : memref<3x1000000xf32, #tpu.memory_space<hbm>> -> memref<3x5376xf32, #tpu.memory_space<hbm>>
      tpu.enqueue_dma source(%arg5 : memref<3x5376xf32, #tpu.memory_space<vmem>>) target(%dma_start3A_216 : memref<3x5376xf32, #tpu.memory_space<hbm>>) target_semaphore(%arg11 : memref<!tpu.dma_semaphore, #tpu.memory_space<semaphore_mem>>)
    } else {
    }
    %add3A_61 = arith.constant 0 : i32
    %add3A_62 = arith.addi %add3A_61, %add3A : i32
    %mul3A_63 = arith.constant 5376 : i32
    %mul3A_64 = arith.muli %add3A_62, %mul3A_63 : i32
    %lt3A_65 = arith.constant 186 : i32
    %lt3A_66 = arith.cmpi slt, %add3A_62, %lt3A_65 : i32
    %convert_element_type3A_67 = arith.extui %lt3A_66 : i1 to i32
    %cond3A_68 = arith.constant 0 : i32
    %cond3A_69 = arith.cmpi ne, %convert_element_type3A_67, %cond3A_68 : i32
    scf.if %cond3A_69 {
      %dma_wait3A = arith.constant 0 : i32
      %dma_wait3A_214 = tpu.memref_slice %arg3[%dma_wait3A, %mul3A_64] : memref<3x1000000xf32, #tpu.memory_space<hbm>> -> memref<3x5376xf32, #tpu.memory_space<hbm>>
      %dma_wait3A_215 = arith.constant 0 : i32
      %dma_wait3A_216 = tpu.memref_slice %arg3[%dma_wait3A_215, %mul3A_64] : memref<3x1000000xf32, #tpu.memory_space<hbm>> -> memref<3x5376xf32, #tpu.memory_space<hbm>>
      tpu.wait_dma2 semaphore(%arg10 : memref<!tpu.dma_semaphore, #tpu.memory_space<semaphore_mem>>) src(%arg4 : memref<3x5376xf32, #tpu.memory_space<vmem>>) dst(%dma_wait3A_216 : memref<3x5376xf32, #tpu.memory_space<hbm>>)
    } else {
    }
    %add3A_70 = arith.constant 96 : i32
    %add3A_71 = arith.addi %add3A_70, %add3A : i32
    %mul3A_72 = arith.constant 5376 : i32
    %mul3A_73 = arith.muli %add3A_71, %mul3A_72 : i32
    %lt3A_74 = arith.constant 186 : i32
    %lt3A_75 = arith.cmpi slt, %add3A_71, %lt3A_74 : i32
    %convert_element_type3A_76 = arith.extui %lt3A_75 : i1 to i32
    %cond3A_77 = arith.constant 0 : i32
    %cond3A_78 = arith.cmpi ne, %convert_element_type3A_76, %cond3A_77 : i32
    scf.if %cond3A_78 {
      %dma_start3A = arith.constant 0 : i32
      %dma_start3A_214 = tpu.memref_slice %arg2[%dma_start3A, %mul3A_73] : memref<3x1000000xf32, #tpu.memory_space<hbm>> -> memref<3x5376xf32, #tpu.memory_space<hbm>>
      %dma_start3A_215 = arith.constant 0 : i32
      %dma_start3A_216 = tpu.memref_slice %arg2[%dma_start3A_215, %mul3A_73] : memref<3x1000000xf32, #tpu.memory_space<hbm>> -> memref<3x5376xf32, #tpu.memory_space<hbm>>
      tpu.enqueue_dma source(%dma_start3A_216 : memref<3x5376xf32, #tpu.memory_space<hbm>>) target(%arg4 : memref<3x5376xf32, #tpu.memory_space<vmem>>) target_semaphore(%arg7 : memref<!tpu.dma_semaphore, #tpu.memory_space<semaphore_mem>>)
    } else {
    }
    %add3A_79 = arith.constant 64 : i32
    %add3A_80 = arith.addi %add3A_79, %add3A : i32
    %mul3A_81 = arith.constant 5376 : i32
    %mul3A_82 = arith.muli %add3A_80, %mul3A_81 : i32
    %lt3A_83 = arith.constant 186 : i32
    %lt3A_84 = arith.cmpi slt, %add3A_80, %lt3A_83 : i32
    %convert_element_type3A_85 = arith.extui %lt3A_84 : i1 to i32
    %cond3A_86 = arith.constant 0 : i32
    %cond3A_87 = arith.cmpi ne, %convert_element_type3A_85, %cond3A_86 : i32
    scf.if %cond3A_87 {
      %dma_wait3A = arith.constant 0 : i32
      %dma_wait3A_214 = tpu.memref_slice %arg2[%dma_wait3A, %mul3A_82] : memref<3x1000000xf32, #tpu.memory_space<hbm>> -> memref<3x5376xf32, #tpu.memory_space<hbm>>
      %dma_wait3A_215 = arith.constant 0 : i32
      %dma_wait3A_216 = tpu.memref_slice %arg2[%dma_wait3A_215, %mul3A_82] : memref<3x1000000xf32, #tpu.memory_space<hbm>> -> memref<3x5376xf32, #tpu.memory_space<hbm>>
      tpu.wait_dma2 semaphore(%arg9 : memref<!tpu.dma_semaphore, #tpu.memory_space<semaphore_mem>>) src(%dma_wait3A_216 : memref<3x5376xf32, #tpu.memory_space<hbm>>) dst(%arg6 : memref<3x5376xf32, #tpu.memory_space<vmem>>)
    } else {
    }
    %add3A_88 = arith.constant 64 : i32
    %add3A_89 = arith.addi %add3A_88, %add3A : i32
    %mul3A_90 = arith.constant 5376 : i32
    %mul3A_91 = arith.muli %add3A_89, %mul3A_90 : i32
    %lt3A_92 = arith.constant 186 : i32
    %lt3A_93 = arith.cmpi slt, %add3A_89, %lt3A_92 : i32
    %convert_element_type3A_94 = arith.extui %lt3A_93 : i1 to i32
    %cond3A_95 = arith.constant 0 : i32
    %cond3A_96 = arith.cmpi ne, %convert_element_type3A_94, %cond3A_95 : i32
    scf.if %cond3A_96 {
      %dma_start3A = arith.constant 0 : i32
      %dma_start3A_214 = tpu.memref_slice %arg3[%dma_start3A, %mul3A_91] : memref<3x1000000xf32, #tpu.memory_space<hbm>> -> memref<3x5376xf32, #tpu.memory_space<hbm>>
      %dma_start3A_215 = arith.constant 0 : i32
      %dma_start3A_216 = tpu.memref_slice %arg3[%dma_start3A_215, %mul3A_91] : memref<3x1000000xf32, #tpu.memory_space<hbm>> -> memref<3x5376xf32, #tpu.memory_space<hbm>>
      tpu.enqueue_dma source(%arg6 : memref<3x5376xf32, #tpu.memory_space<vmem>>) target(%dma_start3A_216 : memref<3x5376xf32, #tpu.memory_space<hbm>>) target_semaphore(%arg12 : memref<!tpu.dma_semaphore, #tpu.memory_space<semaphore_mem>>)
    } else {
    }
    %add3A_97 = arith.constant 32 : i32
    %add3A_98 = arith.addi %add3A_97, %add3A : i32
    %mul3A_99 = arith.constant 5376 : i32
    %mul3A_100 = arith.muli %add3A_98, %mul3A_99 : i32
    %lt3A_101 = arith.constant 186 : i32
    %lt3A_102 = arith.cmpi slt, %add3A_98, %lt3A_101 : i32
    %convert_element_type3A_103 = arith.extui %lt3A_102 : i1 to i32
    %cond3A_104 = arith.constant 0 : i32
    %cond3A_105 = arith.cmpi ne, %convert_element_type3A_103, %cond3A_104 : i32
    scf.if %cond3A_105 {
      %dma_wait3A = arith.constant 0 : i32
      %dma_wait3A_214 = tpu.memref_slice %arg3[%dma_wait3A, %mul3A_100] : memref<3x1000000xf32, #tpu.memory_space<hbm>> -> memref<3x5376xf32, #tpu.memory_space<hbm>>
      %dma_wait3A_215 = arith.constant 0 : i32
      %dma_wait3A_216 = tpu.memref_slice %arg3[%dma_wait3A_215, %mul3A_100] : memref<3x1000000xf32, #tpu.memory_space<hbm>> -> memref<3x5376xf32, #tpu.memory_space<hbm>>
      tpu.wait_dma2 semaphore(%arg11 : memref<!tpu.dma_semaphore, #tpu.memory_space<semaphore_mem>>) src(%arg5 : memref<3x5376xf32, #tpu.memory_space<vmem>>) dst(%dma_wait3A_216 : memref<3x5376xf32, #tpu.memory_space<hbm>>)
    } else {
    }
    %add3A_106 = arith.constant 128 : i32
    %add3A_107 = arith.addi %add3A_106, %add3A : i32
    %mul3A_108 = arith.constant 5376 : i32
    %mul3A_109 = arith.muli %add3A_107, %mul3A_108 : i32
    %lt3A_110 = arith.constant 186 : i32
    %lt3A_111 = arith.cmpi slt, %add3A_107, %lt3A_110 : i32
    %convert_element_type3A_112 = arith.extui %lt3A_111 : i1 to i32
    %cond3A_113 = arith.constant 0 : i32
    %cond3A_114 = arith.cmpi ne, %convert_element_type3A_112, %cond3A_113 : i32
    scf.if %cond3A_114 {
      %dma_start3A = arith.constant 0 : i32
      %dma_start3A_214 = tpu.memref_slice %arg2[%dma_start3A, %mul3A_109] : memref<3x1000000xf32, #tpu.memory_space<hbm>> -> memref<3x5376xf32, #tpu.memory_space<hbm>>
      %dma_start3A_215 = arith.constant 0 : i32
      %dma_start3A_216 = tpu.memref_slice %arg2[%dma_start3A_215, %mul3A_109] : memref<3x1000000xf32, #tpu.memory_space<hbm>> -> memref<3x5376xf32, #tpu.memory_space<hbm>>
      tpu.enqueue_dma source(%dma_start3A_216 : memref<3x5376xf32, #tpu.memory_space<hbm>>) target(%arg5 : memref<3x5376xf32, #tpu.memory_space<vmem>>) target_semaphore(%arg8 : memref<!tpu.dma_semaphore, #tpu.memory_space<semaphore_mem>>)
    } else {
    }
    %add3A_115 = arith.constant 96 : i32
    %add3A_116 = arith.addi %add3A_115, %add3A : i32
    %mul3A_117 = arith.constant 5376 : i32
    %mul3A_118 = arith.muli %add3A_116, %mul3A_117 : i32
    %lt3A_119 = arith.constant 186 : i32
    %lt3A_120 = arith.cmpi slt, %add3A_116, %lt3A_119 : i32
    %convert_element_type3A_121 = arith.extui %lt3A_120 : i1 to i32
    %cond3A_122 = arith.constant 0 : i32
    %cond3A_123 = arith.cmpi ne, %convert_element_type3A_121, %cond3A_122 : i32
    scf.if %cond3A_123 {
      %dma_wait3A = arith.constant 0 : i32
      %dma_wait3A_214 = tpu.memref_slice %arg2[%dma_wait3A, %mul3A_118] : memref<3x1000000xf32, #tpu.memory_space<hbm>> -> memref<3x5376xf32, #tpu.memory_space<hbm>>
      %dma_wait3A_215 = arith.constant 0 : i32
      %dma_wait3A_216 = tpu.memref_slice %arg2[%dma_wait3A_215, %mul3A_118] : memref<3x1000000xf32, #tpu.memory_space<hbm>> -> memref<3x5376xf32, #tpu.memory_space<hbm>>
      tpu.wait_dma2 semaphore(%arg7 : memref<!tpu.dma_semaphore, #tpu.memory_space<semaphore_mem>>) src(%dma_wait3A_216 : memref<3x5376xf32, #tpu.memory_space<hbm>>) dst(%arg4 : memref<3x5376xf32, #tpu.memory_space<vmem>>)
    } else {
    }
    %add3A_124 = arith.constant 96 : i32
    %add3A_125 = arith.addi %add3A_124, %add3A : i32
    %mul3A_126 = arith.constant 5376 : i32
    %mul3A_127 = arith.muli %add3A_125, %mul3A_126 : i32
    %lt3A_128 = arith.constant 186 : i32
    %lt3A_129 = arith.cmpi slt, %add3A_125, %lt3A_128 : i32
    %convert_element_type3A_130 = arith.extui %lt3A_129 : i1 to i32
    %cond3A_131 = arith.constant 0 : i32
    %cond3A_132 = arith.cmpi ne, %convert_element_type3A_130, %cond3A_131 : i32
    scf.if %cond3A_132 {
      %dma_start3A = arith.constant 0 : i32
      %dma_start3A_214 = tpu.memref_slice %arg3[%dma_start3A, %mul3A_127] : memref<3x1000000xf32, #tpu.memory_space<hbm>> -> memref<3x5376xf32, #tpu.memory_space<hbm>>
      %dma_start3A_215 = arith.constant 0 : i32
      %dma_start3A_216 = tpu.memref_slice %arg3[%dma_start3A_215, %mul3A_127] : memref<3x1000000xf32, #tpu.memory_space<hbm>> -> memref<3x5376xf32, #tpu.memory_space<hbm>>
      tpu.enqueue_dma source(%arg4 : memref<3x5376xf32, #tpu.memory_space<vmem>>) target(%dma_start3A_216 : memref<3x5376xf32, #tpu.memory_space<hbm>>) target_semaphore(%arg10 : memref<!tpu.dma_semaphore, #tpu.memory_space<semaphore_mem>>)
    } else {
    }
    %add3A_133 = arith.constant 64 : i32
    %add3A_134 = arith.addi %add3A_133, %add3A : i32
    %mul3A_135 = arith.constant 5376 : i32
    %mul3A_136 = arith.muli %add3A_134, %mul3A_135 : i32
    %lt3A_137 = arith.constant 186 : i32
    %lt3A_138 = arith.cmpi slt, %add3A_134, %lt3A_137 : i32
    %convert_element_type3A_139 = arith.extui %lt3A_138 : i1 to i32
    %cond3A_140 = arith.constant 0 : i32
    %cond3A_141 = arith.cmpi ne, %convert_element_type3A_139, %cond3A_140 : i32
    scf.if %cond3A_141 {
      %dma_wait3A = arith.constant 0 : i32
      %dma_wait3A_214 = tpu.memref_slice %arg3[%dma_wait3A, %mul3A_136] : memref<3x1000000xf32, #tpu.memory_space<hbm>> -> memref<3x5376xf32, #tpu.memory_space<hbm>>
      %dma_wait3A_215 = arith.constant 0 : i32
      %dma_wait3A_216 = tpu.memref_slice %arg3[%dma_wait3A_215, %mul3A_136] : memref<3x1000000xf32, #tpu.memory_space<hbm>> -> memref<3x5376xf32, #tpu.memory_space<hbm>>
      tpu.wait_dma2 semaphore(%arg12 : memref<!tpu.dma_semaphore, #tpu.memory_space<semaphore_mem>>) src(%arg6 : memref<3x5376xf32, #tpu.memory_space<vmem>>) dst(%dma_wait3A_216 : memref<3x5376xf32, #tpu.memory_space<hbm>>)
    } else {
    }
    %add3A_142 = arith.constant 160 : i32
    %add3A_143 = arith.addi %add3A_142, %add3A : i32
    %mul3A_144 = arith.constant 5376 : i32
    %mul3A_145 = arith.muli %add3A_143, %mul3A_144 : i32
    %lt3A_146 = arith.constant 186 : i32
    %lt3A_147 = arith.cmpi slt, %add3A_143, %lt3A_146 : i32
    %convert_element_type3A_148 = arith.extui %lt3A_147 : i1 to i32
    %cond3A_149 = arith.constant 0 : i32
    %cond3A_150 = arith.cmpi ne, %convert_element_type3A_148, %cond3A_149 : i32
    scf.if %cond3A_150 {
      %dma_start3A = arith.constant 0 : i32
      %dma_start3A_214 = tpu.memref_slice %arg2[%dma_start3A, %mul3A_145] : memref<3x1000000xf32, #tpu.memory_space<hbm>> -> memref<3x5376xf32, #tpu.memory_space<hbm>>
      %dma_start3A_215 = arith.constant 0 : i32
      %dma_start3A_216 = tpu.memref_slice %arg2[%dma_start3A_215, %mul3A_145] : memref<3x1000000xf32, #tpu.memory_space<hbm>> -> memref<3x5376xf32, #tpu.memory_space<hbm>>
      tpu.enqueue_dma source(%dma_start3A_216 : memref<3x5376xf32, #tpu.memory_space<hbm>>) target(%arg6 : memref<3x5376xf32, #tpu.memory_space<vmem>>) target_semaphore(%arg9 : memref<!tpu.dma_semaphore, #tpu.memory_space<semaphore_mem>>)
    } else {
    }
    %add3A_151 = arith.constant 128 : i32
    %add3A_152 = arith.addi %add3A_151, %add3A : i32
    %mul3A_153 = arith.constant 5376 : i32
    %mul3A_154 = arith.muli %add3A_152, %mul3A_153 : i32
    %lt3A_155 = arith.constant 186 : i32
    %lt3A_156 = arith.cmpi slt, %add3A_152, %lt3A_155 : i32
    %convert_element_type3A_157 = arith.extui %lt3A_156 : i1 to i32
    %cond3A_158 = arith.constant 0 : i32
    %cond3A_159 = arith.cmpi ne, %convert_element_type3A_157, %cond3A_158 : i32
    scf.if %cond3A_159 {
      %dma_wait3A = arith.constant 0 : i32
      %dma_wait3A_214 = tpu.memref_slice %arg2[%dma_wait3A, %mul3A_154] : memref<3x1000000xf32, #tpu.memory_space<hbm>> -> memref<3x5376xf32, #tpu.memory_space<hbm>>
      %dma_wait3A_215 = arith.constant 0 : i32
      %dma_wait3A_216 = tpu.memref_slice %arg2[%dma_wait3A_215, %mul3A_154] : memref<3x1000000xf32, #tpu.memory_space<hbm>> -> memref<3x5376xf32, #tpu.memory_space<hbm>>
      tpu.wait_dma2 semaphore(%arg8 : memref<!tpu.dma_semaphore, #tpu.memory_space<semaphore_mem>>) src(%dma_wait3A_216 : memref<3x5376xf32, #tpu.memory_space<hbm>>) dst(%arg5 : memref<3x5376xf32, #tpu.memory_space<vmem>>)
    } else {
    }
    %add3A_160 = arith.constant 128 : i32
    %add3A_161 = arith.addi %add3A_160, %add3A : i32
    %mul3A_162 = arith.constant 5376 : i32
    %mul3A_163 = arith.muli %add3A_161, %mul3A_162 : i32
    %lt3A_164 = arith.constant 186 : i32
    %lt3A_165 = arith.cmpi slt, %add3A_161, %lt3A_164 : i32
    %convert_element_type3A_166 = arith.extui %lt3A_165 : i1 to i32
    %cond3A_167 = arith.constant 0 : i32
    %cond3A_168 = arith.cmpi ne, %convert_element_type3A_166, %cond3A_167 : i32
    scf.if %cond3A_168 {
      %dma_start3A = arith.constant 0 : i32
      %dma_start3A_214 = tpu.memref_slice %arg3[%dma_start3A, %mul3A_163] : memref<3x1000000xf32, #tpu.memory_space<hbm>> -> memref<3x5376xf32, #tpu.memory_space<hbm>>
      %dma_start3A_215 = arith.constant 0 : i32
      %dma_start3A_216 = tpu.memref_slice %arg3[%dma_start3A_215, %mul3A_163] : memref<3x1000000xf32, #tpu.memory_space<hbm>> -> memref<3x5376xf32, #tpu.memory_space<hbm>>
      tpu.enqueue_dma source(%arg5 : memref<3x5376xf32, #tpu.memory_space<vmem>>) target(%dma_start3A_216 : memref<3x5376xf32, #tpu.memory_space<hbm>>) target_semaphore(%arg11 : memref<!tpu.dma_semaphore, #tpu.memory_space<semaphore_mem>>)
    } else {
    }
    %add3A_169 = arith.constant 160 : i32
    %add3A_170 = arith.addi %add3A_169, %add3A : i32
    %mul3A_171 = arith.constant 5376 : i32
    %mul3A_172 = arith.muli %add3A_170, %mul3A_171 : i32
    %lt3A_173 = arith.constant 186 : i32
    %lt3A_174 = arith.cmpi slt, %add3A_170, %lt3A_173 : i32
    %convert_element_type3A_175 = arith.extui %lt3A_174 : i1 to i32
    %cond3A_176 = arith.constant 0 : i32
    %cond3A_177 = arith.cmpi ne, %convert_element_type3A_175, %cond3A_176 : i32
    scf.if %cond3A_177 {
      %dma_wait3A = arith.constant 0 : i32
      %dma_wait3A_214 = tpu.memref_slice %arg2[%dma_wait3A, %mul3A_172] : memref<3x1000000xf32, #tpu.memory_space<hbm>> -> memref<3x5376xf32, #tpu.memory_space<hbm>>
      %dma_wait3A_215 = arith.constant 0 : i32
      %dma_wait3A_216 = tpu.memref_slice %arg2[%dma_wait3A_215, %mul3A_172] : memref<3x1000000xf32, #tpu.memory_space<hbm>> -> memref<3x5376xf32, #tpu.memory_space<hbm>>
      tpu.wait_dma2 semaphore(%arg9 : memref<!tpu.dma_semaphore, #tpu.memory_space<semaphore_mem>>) src(%dma_wait3A_216 : memref<3x5376xf32, #tpu.memory_space<hbm>>) dst(%arg6 : memref<3x5376xf32, #tpu.memory_space<vmem>>)
    } else {
    }
    %add3A_178 = arith.constant 160 : i32
    %add3A_179 = arith.addi %add3A_178, %add3A : i32
    %mul3A_180 = arith.constant 5376 : i32
    %mul3A_181 = arith.muli %add3A_179, %mul3A_180 : i32
    %lt3A_182 = arith.constant 186 : i32
    %lt3A_183 = arith.cmpi slt, %add3A_179, %lt3A_182 : i32
    %convert_element_type3A_184 = arith.extui %lt3A_183 : i1 to i32
    %cond3A_185 = arith.constant 0 : i32
    %cond3A_186 = arith.cmpi ne, %convert_element_type3A_184, %cond3A_185 : i32
    scf.if %cond3A_186 {
      %dma_start3A = arith.constant 0 : i32
      %dma_start3A_214 = tpu.memref_slice %arg3[%dma_start3A, %mul3A_181] : memref<3x1000000xf32, #tpu.memory_space<hbm>> -> memref<3x5376xf32, #tpu.memory_space<hbm>>
      %dma_start3A_215 = arith.constant 0 : i32
      %dma_start3A_216 = tpu.memref_slice %arg3[%dma_start3A_215, %mul3A_181] : memref<3x1000000xf32, #tpu.memory_space<hbm>> -> memref<3x5376xf32, #tpu.memory_space<hbm>>
      tpu.enqueue_dma source(%arg6 : memref<3x5376xf32, #tpu.memory_space<vmem>>) target(%dma_start3A_216 : memref<3x5376xf32, #tpu.memory_space<hbm>>) target_semaphore(%arg12 : memref<!tpu.dma_semaphore, #tpu.memory_space<semaphore_mem>>)
    } else {
    }
    %add3A_187 = arith.constant 96 : i32
    %add3A_188 = arith.addi %add3A_187, %add3A : i32
    %mul3A_189 = arith.constant 5376 : i32
    %mul3A_190 = arith.muli %add3A_188, %mul3A_189 : i32
    %lt3A_191 = arith.constant 186 : i32
    %lt3A_192 = arith.cmpi slt, %add3A_188, %lt3A_191 : i32
    %convert_element_type3A_193 = arith.extui %lt3A_192 : i1 to i32
    %cond3A_194 = arith.constant 0 : i32
    %cond3A_195 = arith.cmpi ne, %convert_element_type3A_193, %cond3A_194 : i32
    scf.if %cond3A_195 {
      %dma_wait3A = arith.constant 0 : i32
      %dma_wait3A_214 = tpu.memref_slice %arg3[%dma_wait3A, %mul3A_190] : memref<3x1000000xf32, #tpu.memory_space<hbm>> -> memref<3x5376xf32, #tpu.memory_space<hbm>>
      %dma_wait3A_215 = arith.constant 0 : i32
      %dma_wait3A_216 = tpu.memref_slice %arg3[%dma_wait3A_215, %mul3A_190] : memref<3x1000000xf32, #tpu.memory_space<hbm>> -> memref<3x5376xf32, #tpu.memory_space<hbm>>
      tpu.wait_dma2 semaphore(%arg10 : memref<!tpu.dma_semaphore, #tpu.memory_space<semaphore_mem>>) src(%arg4 : memref<3x5376xf32, #tpu.memory_space<vmem>>) dst(%dma_wait3A_216 : memref<3x5376xf32, #tpu.memory_space<hbm>>)
    } else {
    }
    %add3A_196 = arith.constant 128 : i32
    %add3A_197 = arith.addi %add3A_196, %add3A : i32
    %mul3A_198 = arith.constant 5376 : i32
    %mul3A_199 = arith.muli %add3A_197, %mul3A_198 : i32
    %lt3A_200 = arith.constant 186 : i32
    %lt3A_201 = arith.cmpi slt, %add3A_197, %lt3A_200 : i32
    %convert_element_type3A_202 = arith.extui %lt3A_201 : i1 to i32
    %cond3A_203 = arith.constant 0 : i32
    %cond3A_204 = arith.cmpi ne, %convert_element_type3A_202, %cond3A_203 : i32
    scf.if %cond3A_204 {
      %dma_wait3A = arith.constant 0 : i32
      %dma_wait3A_214 = tpu.memref_slice %arg3[%dma_wait3A, %mul3A_199] : memref<3x1000000xf32, #tpu.memory_space<hbm>> -> memref<3x5376xf32, #tpu.memory_space<hbm>>
      %dma_wait3A_215 = arith.constant 0 : i32
      %dma_wait3A_216 = tpu.memref_slice %arg3[%dma_wait3A_215, %mul3A_199] : memref<3x1000000xf32, #tpu.memory_space<hbm>> -> memref<3x5376xf32, #tpu.memory_space<hbm>>
      tpu.wait_dma2 semaphore(%arg11 : memref<!tpu.dma_semaphore, #tpu.memory_space<semaphore_mem>>) src(%arg5 : memref<3x5376xf32, #tpu.memory_space<vmem>>) dst(%dma_wait3A_216 : memref<3x5376xf32, #tpu.memory_space<hbm>>)
    } else {
    }
    %add3A_205 = arith.constant 160 : i32
    %add3A_206 = arith.addi %add3A_205, %add3A : i32
    %mul3A_207 = arith.constant 5376 : i32
    %mul3A_208 = arith.muli %add3A_206, %mul3A_207 : i32
    %lt3A_209 = arith.constant 186 : i32
    %lt3A_210 = arith.cmpi slt, %add3A_206, %lt3A_209 : i32
    %convert_element_type3A_211 = arith.extui %lt3A_210 : i1 to i32
    %cond3A_212 = arith.constant 0 : i32
    %cond3A_213 = arith.cmpi ne, %convert_element_type3A_211, %cond3A_212 : i32
    scf.if %cond3A_213 {
      %dma_wait3A = arith.constant 0 : i32
      %dma_wait3A_214 = tpu.memref_slice %arg3[%dma_wait3A, %mul3A_208] : memref<3x1000000xf32, #tpu.memory_space<hbm>> -> memref<3x5376xf32, #tpu.memory_space<hbm>>
      %dma_wait3A_215 = arith.constant 0 : i32
      %dma_wait3A_216 = tpu.memref_slice %arg3[%dma_wait3A_215, %mul3A_208] : memref<3x1000000xf32, #tpu.memory_space<hbm>> -> memref<3x5376xf32, #tpu.memory_space<hbm>>
      tpu.wait_dma2 semaphore(%arg12 : memref<!tpu.dma_semaphore, #tpu.memory_space<semaphore_mem>>) src(%arg6 : memref<3x5376xf32, #tpu.memory_space<vmem>>) dst(%dma_wait3A_216 : memref<3x5376xf32, #tpu.memory_space<hbm>>)
    } else {
    }
    return
  }
}

module attributes {stable_mosaic.version = 14 : i64} {
  func.func @_add_body(%arg0: i32, %arg1: memref<3x32768xf32, #tpu.memory_space<vmem>>, %arg2: memref<3x32768xf32, #tpu.memory_space<vmem>>, %arg3: memref<4x32768xf32, #tpu.memory_space<vmem>>, %arg4: memref<4x32768xf32, #tpu.memory_space<vmem>>, %arg5: memref<3x32768xf32, #tpu.memory_space<vmem>>, %arg6: memref<4x32768xf32, #tpu.memory_space<vmem>>) attributes {dimension_semantics = [#tpu.dimension_semantics<arbitrary>], iteration_bounds = array<i64: 31>, scalar_prefetch = 0 : i64, scratch_operands = 0 : i64, tpu.core_type = #tpu.core_type<tc>, window_params = [{transform_indices = @transform_0, window_bounds = array<i64: 3, 32768>}, {transform_indices = @transform_1, window_bounds = array<i64: 3, 32768>}, {transform_indices = @transform_2, window_bounds = array<i64: 4, 32768>}, {transform_indices = @transform_3, window_bounds = array<i64: 4, 32768>}, {transform_indices = @transform_4, window_bounds = array<i64: 3, 32768>}, {transform_indices = @transform_5, window_bounds = array<i64: 4, 32768>}]} {
    %get3A = arith.constant 0 : index
    %get3A_0 = arith.constant 0 : index
    %get3A_1 = vector.load %arg1[%get3A, %get3A_0] : memref<3x32768xf32, #tpu.memory_space<vmem>>, vector<3x32768xf32>
    %get3A_2 = arith.constant 0 : index
    %get3A_3 = arith.constant 0 : index
    %get3A_4 = vector.load %arg2[%get3A_2, %get3A_3] : memref<3x32768xf32, #tpu.memory_space<vmem>>, vector<3x32768xf32>
    %add3A = arith.addf %get3A_1, %get3A_4 : vector<3x32768xf32>
    %swap3A = arith.constant 0 : index
    %swap3A_5 = arith.constant 0 : index
    %swap3A_6 = vector.load %arg5[%swap3A, %swap3A_5] : memref<3x32768xf32, #tpu.memory_space<vmem>>, vector<3x32768xf32>
    tpu.vector_store %arg5[%swap3A, %swap3A_5], %add3A {strides = array<i32>} : memref<3x32768xf32, #tpu.memory_space<vmem>>, vector<3x32768xf32>,
    %get3A_7 = arith.constant 0 : index
    %get3A_8 = arith.constant 0 : index
    %get3A_9 = vector.load %arg3[%get3A_7, %get3A_8] : memref<4x32768xf32, #tpu.memory_space<vmem>>, vector<4x32768xf32>
    %get3A_10 = arith.constant 0 : index
    %get3A_11 = arith.constant 0 : index
    %get3A_12 = vector.load %arg4[%get3A_10, %get3A_11] : memref<4x32768xf32, #tpu.memory_space<vmem>>, vector<4x32768xf32>
    %add3A_13 = arith.addf %get3A_9, %get3A_12 : vector<4x32768xf32>
    %swap3A_14 = arith.constant 0 : index
    %swap3A_15 = arith.constant 0 : index
    %swap3A_16 = vector.load %arg6[%swap3A_14, %swap3A_15] : memref<4x32768xf32, #tpu.memory_space<vmem>>, vector<4x32768xf32>
    tpu.vector_store %arg6[%swap3A_14, %swap3A_15], %add3A_13 {strides = array<i32>} : memref<4x32768xf32, #tpu.memory_space<vmem>>, vector<4x32768xf32>,
    return
  }
  func.func @transform_0(%arg0: i32) -> (i32, i32) {
    %c0_i32 = arith.constant 0 : i32
    %c0_i32_0 = arith.constant 0 : i32
    return %c0_i32, %arg0 : i32, i32
  }
  func.func @transform_1(%arg0: i32) -> (i32, i32) {
    %c0_i32 = arith.constant 0 : i32
    %c0_i32_0 = arith.constant 0 : i32
    return %c0_i32, %arg0 : i32, i32
  }
  func.func @transform_2(%arg0: i32) -> (i32, i32) {
    %c0_i32 = arith.constant 0 : i32
    %c0_i32_0 = arith.constant 0 : i32
    return %c0_i32, %arg0 : i32, i32
  }
  func.func @transform_3(%arg0: i32) -> (i32, i32) {
    %c0_i32 = arith.constant 0 : i32
    %c0_i32_0 = arith.constant 0 : i32
    return %c0_i32, %arg0 : i32, i32
  }
  func.func @transform_4(%arg0: i32) -> (i32, i32) {
    %c0_i32 = arith.constant 0 : i32
    %c0_i32_0 = arith.constant 0 : i32
    return %c0_i32, %arg0 : i32, i32
  }
  func.func @transform_5(%arg0: i32) -> (i32, i32) {
    %c0_i32 = arith.constant 0 : i32
    %c0_i32_0 = arith.constant 0 : i32
    return %c0_i32, %arg0 : i32, i32
  }
}

</mosaic_0001>

<sc_bundles>
// kernel: kernel.4.cloned.1.call-start
scs
__scs_entry_jumppad:
0x0: {  	(pc) =	sbr.rel $0x88, $3  }
0x1: {  	(tag) =	ssettag $0x0;
	lr =	simm.s32 $0x1  }
0x2: {  	[smem:$0x3F9C] =	sst lr;
	_ =	strace $0xD0000000  }
0x3: {  	_ = 	snop  }
0x4: {  	_ = 	snop  }
0x5: {  	_ = 	snop  }
0x6: {  	_ = 	snop  }
0x7: {  	_ = 	snop  }
__scs_overlays_trampoline_lowered:
0x8: {  	[smem:$0x3FAB] =	sst s0  }
0x9: {  	[smem:$0x3FAC] =	sst s1  }
0xa: {  	[smem:$0x3FAD] =	sst s2  }
0xb: {  	[smem:$0x3FAE] =	sst s3  }
0xc: {  	[smem:$0x3FAF] =	sst s4  }
0xd: {  	[smem:$0x3FB0] =	sst s5  }
0xe: {  	[smem:$0x3FB1] =	sst s6  }
0xf: {  	[smem:$0x3FB2] =	sst s7  }
0x10: {  	[smem:$0x3FB3] =	sst s8  }
0x11: {  	[smem:$0x3FB4] =	sst s9;
	s0 =	simm.s32 @!p0 $0x0  }
0x12: {  	s1 =	sld [smem:$0x3F9A];
	s0 =	simm.s32 @p0 $0x1  }
0x13: {  	[smem:$0x3FB5] =	sst s0;
	s0 =	simm.s32 @!p1 $0x0  }
0x14: {  	s2 =	sld [smem:$0x3F99];
	s0 =	simm.s32 @p1 $0x1  }
0x15: {  	[smem:$0x3FB6] =	sst s0;
	s0 =	simm.s32 @!p2 $0x0  }
0x16: {  	s3 =	sld [smem:$0x3FDB];
	s0 =	simm.s32 @p2 $0x1  }
0x17: {  	s4 =	simm.s32 $0x1BF5;
	[smem:$0x3FB8] =	sst s0  }
0x18: {  	s0 =	sld [smem:$0x3F9B];
	_ =	swait.ge [sflag:s4], $0x0  }
0x19: {  	s7 =	sld [smem:$0x3F9C]  }
0x1a: {  	s8 =	sadd.s32 $0xFFFFE003, lr  }
0x1b: {  	s9 =	sadd.s32 $0xFFFFFEF7, lr;
	s5 =	simm.s32 $0xFFFFFFFF;
	p2 =	slt.u32 s8, $0xFFFFF086  }
0x1c: {  	p1 =	slt.u32 s9, $0xF7A;
	s5 =	simm.s32 @!p2 $0x0  }
0x1d: {  	s5 =	simm.s32 @p1 $0x1;
	p0 =	seq.s32 s7, s2  }
0x1e: {  	s7 =	smul.u32 @!p0 $0xF7A, s2;
	p2 =	seq.s32 @!p0 s5, $0x0  }
0x1f: {  	s9 =	smul.u32 $0xF7A, s1;
	s8 =	simm.s32 @!p0 $0x1BF5;
	p2 =	por !p2, p0  }
0x20: {  	[sflag:s8] =	ssyncset.s32 @!p0 $0xFFFFF086;
	s6 =	sadd.s32 @!p0 s3, s7;
	s7 =	simm.s32 @!p0 $0x108  }
0x21: {  	s3 =	sadd.s32 s3, s9;
	s6 =	sadd.s32 @!p0 $0x88, s6;
	s7 =	simm.s32 @p2 $0x1082  }
0x22: {  	[simem:s7], [sflag:s8] =	dma.local @!p0 [hbm:s6], $0xF7A  }
0x23: {  	s9 =	sor.u32 $0xD0000000, s2;
	s6 =	simm.s32 $0x108;
	_ =	swait.ge @!p0 [sflag:s8], $0x0  }
0x24: {  	s3 =	sadd.s32 $0x88, s3;
	s6 =	simm.s32 @!p1 $0x1082;
	[sflag:s4] =	ssyncset.s32 $0xFFFFF086  }
0x25: {  	[simem:s6], [sflag:s4] =	dma.local [hbm:s3], $0xF7A  }
0x26: {  	[smem:$0x3F9C] =	sst s1;
	(tag) =	ssettag s2;
	_ =	strace s9  }
0x27: {  	s1 =	sld [smem:$0x3FAC]  }
0x28: {  	s2 =	sld [smem:$0x3FAD]  }
0x29: {  	s4 =	sld [smem:$0x3FAF]  }
0x2a: {  	p0 =	seq.s32 s5, $0x0;
	s5 =	sld [smem:$0x3FB0]  }
0x2b: {  	s6 =	sld [smem:$0x3FB1]  }
0x2c: {  	s7 =	sld [smem:$0x3FB2]  }
0x2d: {  	s3 =	simm.s32 $0x108;
	s8 =	sld [smem:$0x3FB3]  }
0x2e: {  	s3 =	simm.s32 @!p0 $0x1082;
	s9 =	sld [smem:$0x3FB4]  }
0x2f: {  	lr =	sadd.s32 s0, s3;
	s0 =	sld [smem:$0x3FAB]  }
0x30: {  	s3 =	sld [smem:$0x3FAE]  }
0x31: {  	[smem:$0x3FB7] =	sst s10  }
0x32: {  	s10 =	sld [smem:$0x3FB5];
	_ =	sdelay $0x3  }
0x33: {  	p0 =	seq.s32 s10, $0x1;
	s10 =	sld [smem:$0x3FB7];
	_ =	sdelay $0x3  }
0x34: {  	[smem:$0x3FB7] =	sst s10  }
0x35: {  	s10 =	sld [smem:$0x3FB6];
	_ =	sdelay $0x3  }
0x36: {  	p1 =	seq.s32 s10, $0x1;
	s10 =	sld [smem:$0x3FB7];
	_ =	sdelay $0x3  }
0x37: {  	[smem:$0x3FB7] =	sst s10  }
0x38: {  	s10 =	sld [smem:$0x3FB8]  }
0x39: {  	_ = 	snop;
	(pc) =	sbr.ind lr, $3  }
0x3a: {  	_ = 	snop  }
0x3b: {  	_ = 	snop  }
0x3c: {  	p2 =	seq.s32 s10, $0x1;
	s10 =	sld [smem:$0x3FB7]  }
0x3d: {  	_ =	shalt  }
0x3e: {  	_ =	shalt  }
0x3f: {  	_ =	shalt  }
0x40: {  	_ =	shalt  }
0x41: {  	_ =	shalt  }
0x42: {  	_ =	shalt  }
0x43: {  	_ =	shalt  }
0x44: {  	_ =	shalt  }
0x45: {  	_ =	shalt  }
0x46: {  	_ =	shalt  }
0x47: {  	_ =	shalt  }
0x48: {  	_ =	shalt  }
0x49: {  	_ =	shalt  }
0x4a: {  	_ =	shalt  }
0x4b: {  	_ =	shalt  }
0x4c: {  	_ =	shalt  }
0x4d: {  	_ =	shalt  }
0x4e: {  	_ =	shalt  }
0x4f: {  	_ =	shalt  }
0x50: {  	_ =	shalt  }
0x51: {  	_ =	shalt  }
0x52: {  	_ =	shalt  }
0x53: {  	_ =	shalt  }
0x54: {  	_ =	shalt  }
0x55: {  	_ =	shalt  }
0x56: {  	_ =	shalt  }
0x57: {  	_ =	shalt  }
0x58: {  	_ =	shalt  }
0x59: {  	_ =	shalt  }
0x5a: {  	_ =	shalt  }
0x5b: {  	_ =	shalt  }
0x5c: {  	_ =	shalt  }
0x5d: {  	_ =	shalt  }
0x5e: {  	_ =	shalt  }
0x5f: {  	_ =	shalt  }
0x60: {  	_ =	shalt  }
0x61: {  	_ =	shalt  }
0x62: {  	_ =	shalt  }
0x63: {  	_ =	shalt  }
0x64: {  	_ =	shalt  }
0x65: {  	_ =	shalt  }
0x66: {  	_ =	shalt  }
0x67: {  	_ =	shalt  }
0x68: {  	_ =	shalt  }
0x69: {  	_ =	shalt  }
0x6a: {  	_ =	shalt  }
0x6b: {  	_ =	shalt  }
0x6c: {  	_ =	shalt  }
0x6d: {  	_ =	shalt  }
0x6e: {  	_ =	shalt  }
0x6f: {  	_ =	shalt  }
0x70: {  	_ =	shalt  }
0x71: {  	_ =	shalt  }
0x72: {  	_ =	shalt  }
0x73: {  	_ =	shalt  }
0x74: {  	_ =	shalt  }
0x75: {  	_ =	shalt  }
0x76: {  	_ =	shalt  }
0x77: {  	_ =	shalt  }
0x78: {  	_ =	shalt  }
0x79: {  	_ =	shalt  }
0x7a: {  	_ =	shalt  }
0x7b: {  	_ =	shalt  }
0x7c: {  	_ =	shalt  }
0x7d: {  	_ =	shalt  }
0x7e: {  	_ =	shalt  }
0x7f: {  	_ =	shalt  }
0x80: {  	_ =	shalt  }
0x81: {  	_ =	shalt  }
0x82: {  	_ =	shalt  }
0x83: {  	_ =	shalt  }
0x84: {  	_ =	shalt  }
0x85: {  	_ =	shalt  }
0x86: {  	_ =	shalt  }
0x87: {  	_ =	shalt  }
.Lfunc_end0:
.L_simem_size_0:
called_computation_lowered:
.L_overlay_start_0:
0x88: {  	s2 =	sld [smem:$0x3FD9]  }
0x89: {  	s3 =	sld [smem:$0x3FFE];
	_ =	sdelay $0x1  }
0x8a: {  	s1 =	srdreg.scid  }
0x8b: {  	s0 =	sand.u32 $0x1, s1  }
0x8c: {  	s15 =	sshll.u32 s0, $0xA;
	s2 =	sadd.s32 s3, s2  }
0x8d: {  	s2 =	sadd.s32 s2, s15  }
0x8e: {  	[smem:$0x3FC3] =	sst s2  }
0x8f: {  	_ = 	snop  }
0x90: {  	s2 =	sld [smem:$0x3FD0];
	_ =	sdelay $0x2  }
0x91: {  	s4 =	simm.s32 $0xA;
	s5 =	simm.s32 $0x10;
	s16 =	sld [smem:$0x3FC8]  }
0x92: {  	[smem:s5], [sflag:s4] =	dma.local [hbm:s2], $0x1  }
0x93: {  	_ =	swait.eq [sflag:s4], $0x1  }
0x94: {  	[sflag:s4] =	ssyncset.done $0x0  }
0x95: {  	[sflag:s4] =	ssyncadd.s32 $0xFFFFFFFF  }
0x96: {  	s17 =	sld [smem:$0x11];
	(tm) =	ssettm $0x1  }
0x97: {  	s18 =	sld [smem:$0x3FFB];
	_ =	sdelay $0x3  }
0x98: {  	_ =	strace s18  }
0x99: {  	s4 =	sld [smem:$0x3FFC];
	_ =	sdelay $0x3  }
0x9a: {  	_ =	strace s4  }
0x9b: {  	s4 =	sld [smem:$0x3FFD];
	_ =	sdelay $0x3  }
0x9c: {  	_ =	strace s4  }
0x9d: {  	_ =	strace $0x8FFFFFFF  }
0x9e: {  	s19 =	sld [smem:$0x3FDB];
	_ =	sdelay $0x1  }
0x9f: {  	s20 =	simm.s32 $_scs_section_size  }
0xa0: {  	s6 =	simm.s32 $_size__tile_overlayer_lowered;
	s7 =	simm.s32 $_tile_overlayer_lowered  }
0xa1: {  	s23 =	simm.s32 $0x1BFF;
	s22 =	sshll.u32 s7, $0x1;
	s4 =	sadd.s32 s20, s19  }
0xa2: {  	s8 =	simm.s32 $0x0;
	s21 =	sshll.u32 s6, $0x1;
	s6 =	sadd.s32 s22, s4  }
0xa3: {  	[timem:s8], [sflag:s23] =	dma.local [hbm:s6], s21  }
0xa4: {  	_ =	swait.ge [sflag:s23], s21  }
0xa5: {  	s5 =	ssub.s32 $0x0, s21;
	[sflag:s23] =	ssyncset.done $0x0  }
0xa6: {  	[sflag:s23] =	ssyncadd.s32 s5;
	_ =	sdelay $0x1  }
0xa7: {  	s24 =	simm.s32 $0x1B8B  }
0xa8: {  	_ =	swait.ge [sflag:s24], $0x1  }
0xa9: {  	[sflag:s24] =	ssyncset.done $0x0  }
0xaa: {  	s25 =	simm.s32 $0x1B8E;
	[sflag:s24] =	ssyncadd.s32 $0xFFFFFFFF  }
0xab: {  	s26 =	simm.s32 $execute0_lowered;
	[smem:$0x3FD2] =	sst s25  }
0xac: {  	s5 =	sshll.u32 s26, $0x1;
	_ =	strace $0x80000046;
	[dreg:$0x1] =	wrdreg $0xFFFFFFFF  }
0xad: {  	s28 =	simm.s32 $_size_execute0_lowered;
	s4 =	sadd.s32 s4, s5;
	[dreg:$0x0] =	wrdreg $0x0  }
0xae: {  	s5 =	sshll.u32 s28, $0x1;
	[dreg:$0x2] =	wrdreg s4  }
0xaf: {  	[dreg:$0x3] =	wrdreg s5  }
0xb0: {  	[dreg:$0x4] =	wrdreg $0xC0  }
0xb1: {  	_ =	task [dreg:s8], $0x5FFFF  }
0xb2: {  	[dreg:$0x1] =	wrdreg $0xFFFFFFFF  }
0xb3: {  	[dreg:$0x0] =	wrdreg $0x60  }
0xb4: {  	[dreg:$0x2] =	wrdreg s16  }
0xb5: {  	[dreg:$0x3] =	wrdreg s17  }
0xb6: {  	[dreg:$0x4] =	wrdreg $0x9  }
0xb7: {  	_ =	task.clear_ibuf [dreg:s8], $0x5FFFF;
	_ =	strace $0x90000046  }
0xb8: {  	s29 =	simm.s32 $0x9;
	_ =	strace $0x80000048  }
0xb9: {  	_ =	swait.ge [sflag:s29], $0x1  }
0xba: {  	[sflag:s29] =	ssyncadd.s32 $0xFFFFFFFF  }
0xbb: {  	_ =	strace $0x90000048  }
0xbc: {  	_ =	sfence  }
0xbd: {  	s30 =	sld [smem:$0x0];
	_ =	sdelay $0x2  }
0xbe: {  	s31 =	sshll.u32 s1, $0xD;
	s1 =	sshrl.u32 s1, $0x2  }
0xbf: {  	s3 =	sand.u32 $0x4000, s31;
	s1 =	sadd.s32 s1, s30  }
0xc0: {  	s0 =	sor.u32 s3, s0;
	s1 =	sshll.u32 s1, $0x11  }
0xc1: {  	s0 =	sor.u32 s1, s0  }
0xc2: {  	s0 =	sadd.s32 $0x8F2B, s0  }
0xc3: {  	[sflag:s0] =	ssyncadd.remote.s32 $0x1  }
0xc4: {  	_ =	sfence.sel $0xFFFF  }
0xc5: {  	[dreg:$0x0] =	wrdreg $0xFFFFFFFF;
	(pc) =	sbr.abs _section_cstart, $3  }
0xc6: {  	[dreg:$0x1] =	wrdreg $0xFFFFFFFF  }
0xc7: {  	_ =	task.clear_ibuf [dreg:s8], $0x2FFFF;
	_ =	strace $0x9FFFFFFF  }
0xc8: {  	(tm) =	ssettm $0x7FFFFFFF  }
0xc9: {  	_ =	shalt  }
tec
execute0_lowered:
.L_overlay_start_1:
0x0: {  	(tag) =	ssettag $0x1  }
0x1: {  	s0 =	srdreg.scid;
	s20 =	stileid.u32  }
0x2: {  	s0 =	sand.u32 $0x1, s0;
	s2 =	sshll.u32 s20, $0x1  }
0x3: {  	s24 =	rddreg [dreg:$0x0];
	s3 =	sor.u32 s0, s2  }
0x4: {  	s1 =	rddreg [dreg:$0x1];
	s2 =	simm.s32 $0x0;
	s22 =	smul.u32 $0xA80, s3  }
0x5: {  	[smem:$0x7FF] =	sst s2  }
0x6: {  	_ =	strace $0x80000047;
	s3 =	sadd.s32 s24, s22;
	s11 =	sadd.s32 $0x15000, s22  }
0x7: {  	[tilespmem:s2], [sflag:$0x1] =	stream.linear.gather [hbm4b:s3+s2], $0x5400, $0x38;
	[tilespmem:$0xFC00] =	vst v63  }
0x8: {  	s5 =	simm.s32 $0x5400;
	s6 =	simm.s32 $0x1;
	s4 =	sadd.s32 s24, s11  }
0x9: {  	[tilespmem:s5], [sflag:$0x2] =	stream.linear.gather [hbm4b:s4+s2], $0x5400, $0x38;
	[tilespmem:$0xFC00] =	vst v63  }
0xa: {  	_ =	swait.ge [sflag:s6], $0x5400  }
0xb: {  	[sflag:s6] =	ssyncset.done $0x0  }
0xc: {  	s7 =	sadd.s32 s1, s22;
	s15 =	sadd.s32 $0x2A000, s22;
	[sflag:s6] =	ssyncadd.s32 $0xFFFFAC00  }
0xd: {  	[hbm4b:s7+s2] =	stream.linear.scatter [tilespmem:s2], [sflag:$0x4], $0x5400, $0x38;
	[tilespmem:$0xFC00] =	vst v63  }
0xe: {  	s9 =	simm.s32 $0xA800;
	s10 =	simm.s32 $0x2;
	s8 =	sadd.s32 s24, s15  }
0xf: {  	[tilespmem:s9], [sflag:$0x3] =	stream.linear.gather [hbm4b:s8+s2], $0x5400, $0x38;
	[tilespmem:$0xFC00] =	vst v63  }
0x10: {  	_ =	swait.ge [sflag:s10], $0x5400  }
0x11: {  	[sflag:s10] =	ssyncset.done $0x0  }
0x12: {  	s12 =	simm.s32 $0x4;
	s11 =	sadd.s32 s1, s11;
	[sflag:s10] =	ssyncadd.s32 $0xFFFFAC00  }
0x13: {  	[hbm4b:s11+s2] =	stream.linear.scatter [tilespmem:s5], [sflag:$0x5], $0x5400, $0x38;
	[tilespmem:$0xFC00] =	vst v63  }
0x14: {  	_ =	swait.ge [sflag:s12], $0x5400  }
0x15: {  	s18 =	sadd.s32 $0x3F000, s22;
	[sflag:s12] =	ssyncset.done $0x0  }
0x16: {  	s14 =	simm.s32 $0x3;
	s13 =	sadd.s32 s24, s18;
	[sflag:s12] =	ssyncadd.s32 $0xFFFFAC00  }
0x17: {  	[tilespmem:s2], [sflag:$0x1] =	stream.linear.gather [hbm4b:s13+s2], $0x5400, $0x38;
	[tilespmem:$0xFC00] =	vst v63  }
0x18: {  	_ =	swait.ge [sflag:s14], $0x5400  }
0x19: {  	[sflag:s14] =	ssyncset.done $0x0  }
0x1a: {  	s16 =	simm.s32 $0x5;
	s15 =	sadd.s32 s1, s15;
	[sflag:s14] =	ssyncadd.s32 $0xFFFFAC00  }
0x1b: {  	[hbm4b:s15+s2] =	stream.linear.scatter [tilespmem:s9], [sflag:$0x6], $0x5400, $0x38;
	[tilespmem:$0xFC00] =	vst v63  }
0x1c: {  	_ =	swait.ge [sflag:s16], $0x5400  }
0x1d: {  	s21 =	sadd.s32 $0x54000, s22;
	[sflag:s16] =	ssyncset.done $0x0  }
0x1e: {  	s17 =	sadd.s32 s24, s21;
	[sflag:s16] =	ssyncadd.s32 $0xFFFFAC00  }
0x1f: {  	[tilespmem:s5], [sflag:$0x2] =	stream.linear.gather [hbm4b:s17+s2], $0x5400, $0x38;
	[tilespmem:$0xFC00] =	vst v63  }
0x20: {  	_ =	swait.ge [sflag:s6], $0x5400  }
0x21: {  	[sflag:s6] =	ssyncset.done $0x0  }
0x22: {  	s19 =	simm.s32 $0x6;
	s18 =	sadd.s32 s1, s18;
	[sflag:s6] =	ssyncadd.s32 $0xFFFFAC00  }
0x23: {  	[hbm4b:s18+s2] =	stream.linear.scatter [tilespmem:s2], [sflag:$0x4], $0x5400, $0x38;
	[tilespmem:$0xFC00] =	vst v63  }
0x24: {  	_ =	swait.ge [sflag:s19], $0x5400  }
0x25: {  	p0 =	sgt.u32 s20, $0xC;
	[sflag:s19] =	ssyncset.done $0x0  }
0x26: {  	s20 =	simm.s32 @p0 $0x2;
	[sflag:s19] =	ssyncadd.s32 $0xFFFFAC00  }
0x27: {  	s23 =	simm.s32 @p0 $0x5400;
	_ =	swait.ge @p0 [sflag:s20], $0x5400  }
0x28: {  	s25 =	simm.s32 @!p0 $0x0;
	s31 =	sadd.s32 $0x69000, s22;
	[sflag:s20] =	ssyncset.done @p0 $0x0  }
0x29: {  	s22 =	simm.s32 @p0 $0x0;
	s21 =	sadd.s32 s1, s21;
	[sflag:s20] =	ssyncadd.s32 @p0 $0xFFFFAC00  }
0x2a: {  	[hbm4b:s21+s22] =	stream.linear.scatter @p0 [tilespmem:s23], [sflag:$0x5], $0x5400, $0x38;
	[tilespmem:$0xFC00] =	vst v63  }
0x2b: {  	s26 =	simm.s32 @!p0 $0xA800;
	s28 =	simm.s32 @!p0 $0x2;
	s24 =	sadd.s32 s24, s31  }
0x2c: {  	[tilespmem:s26], [sflag:$0x3] =	stream.linear.gather @!p0 [hbm4b:s24+s25], $0x5400, $0x38;
	[tilespmem:$0xFC00] =	vst v63  }
0x2d: {  	_ =	swait.ge @!p0 [sflag:s28], $0x5400  }
0x2e: {  	[sflag:s28] =	ssyncset.done @!p0 $0x0  }
0x2f: {  	s29 =	simm.s32 @!p0 $0x5400;
	s30 =	simm.s32 @!p0 $0x3;
	[sflag:s28] =	ssyncadd.s32 @!p0 $0xFFFFAC00  }
0x30: {  	[hbm4b:s21+s25] =	stream.linear.scatter @!p0 [tilespmem:s29], [sflag:$0x5], $0x5400, $0x38;
	[tilespmem:$0xFC00] =	vst v63  }
0x31: {  	s0 =	ssub.s32 $0x2, s0;
	_ =	swait.ge @!p0 [sflag:s30], $0x5400  }
0x32: {  	s31 =	sadd.s32 s1, s31;
	s1 =	sshrl.u32 s0, $0x1;
	[sflag:s30] =	ssyncset.done @!p0 $0x0  }
0x33: {  	s0 =	ssub.s32 s0, s1;
	[sflag:s30] =	ssyncadd.s32 @!p0 $0xFFFFAC00  }
0x34: {  	[hbm4b:s31+s25] =	stream.linear.scatter @!p0 [tilespmem:s26], [sflag:$0x6], $0x5400, $0x38;
	[tilespmem:$0xFC00] =	vst v63  }
0x35: {  	s0 =	smax.u32 s0, $0x1;
	_ =	swait.ge [sflag:s12], $0x5400  }
0x36: {  	s0 =	sadd.s32 $0xFFFFFFFF, s0;
	[sflag:s12] =	ssyncset.done $0x0  }
0x37: {  	p1 =	sne.s32 s0, $0x0;
	[sflag:s12] =	ssyncadd.s32 $0xFFFFAC00  }
.Ltmp0:
0x38: {  	_ =	swait.ge [sflag:s16], $0x5400;
	(pc) =	sbr.rel @!p1 .LBB2_2-.Ltmp0, $4  }
0x39: {  	[sflag:s16] =	ssyncset.done $0x0  }
0x3a: {  	s1 =	simm.s32 @!p0 $0x6;
	[sflag:s16] =	ssyncadd.s32 $0xFFFFAC00  }
0x3b: {  	_ =	swait.ge @!p0 [sflag:s1], $0x5400  }
0x3c: {  	[sflag:s1] =	ssyncset.done @!p0 $0x0  }
.LBB2_1:
0x3d: {  	s0 =	sadd.s32 $0xFFFFFFFF, s0;
	[sflag:s1] =	ssyncadd.s32 @!p0 $0xFFFFAC00  }
0x3e: {  	[tilespmem:s2], [sflag:$0x1] =	stream.linear.gather [hbm4b:s3+s2], $0x5400, $0x38;
	[tilespmem:$0xFC00] =	vst v63  }
0x3f: {  	p1 =	sne.s32 s0, $0x0  }
0x40: {  	[tilespmem:s5], [sflag:$0x2] =	stream.linear.gather [hbm4b:s4+s2], $0x5400, $0x38;
	[tilespmem:$0xFC00] =	vst v63  }
0x41: {  	_ =	swait.ge [sflag:s6], $0x5400  }
0x42: {  	[sflag:s6] =	ssyncset.done $0x0  }
0x43: {  	[sflag:s6] =	ssyncadd.s32 $0xFFFFAC00  }
0x44: {  	[hbm4b:s7+s2] =	stream.linear.scatter [tilespmem:s2], [sflag:$0x4], $0x5400, $0x38;
	[tilespmem:$0xFC00] =	vst v63  }
0x45: {  	_ = 	snop  }
0x46: {  	[tilespmem:s9], [sflag:$0x3] =	stream.linear.gather [hbm4b:s8+s2], $0x5400, $0x38;
	[tilespmem:$0xFC00] =	vst v63  }
0x47: {  	_ =	swait.ge [sflag:s10], $0x5400  }
0x48: {  	[sflag:s10] =	ssyncset.done $0x0  }
0x49: {  	[sflag:s10] =	ssyncadd.s32 $0xFFFFAC00  }
0x4a: {  	[hbm4b:s11+s2] =	stream.linear.scatter [tilespmem:s5], [sflag:$0x5], $0x5400, $0x38;
	[tilespmem:$0xFC00] =	vst v63  }
0x4b: {  	_ =	swait.ge [sflag:s12], $0x5400  }
0x4c: {  	[sflag:s12] =	ssyncset.done $0x0  }
0x4d: {  	[sflag:s12] =	ssyncadd.s32 $0xFFFFAC00  }
0x4e: {  	[tilespmem:s2], [sflag:$0x1] =	stream.linear.gather [hbm4b:s13+s2], $0x5400, $0x38;
	[tilespmem:$0xFC00] =	vst v63  }
0x4f: {  	_ =	swait.ge [sflag:s14], $0x5400  }
0x50: {  	[sflag:s14] =	ssyncset.done $0x0  }
0x51: {  	[sflag:s14] =	ssyncadd.s32 $0xFFFFAC00  }
0x52: {  	[hbm4b:s15+s2] =	stream.linear.scatter [tilespmem:s9], [sflag:$0x6], $0x5400, $0x38;
	[tilespmem:$0xFC00] =	vst v63  }
0x53: {  	_ =	swait.ge [sflag:s16], $0x5400  }
0x54: {  	[sflag:s16] =	ssyncset.done $0x0  }
0x55: {  	[sflag:s16] =	ssyncadd.s32 $0xFFFFAC00  }
0x56: {  	[tilespmem:s5], [sflag:$0x2] =	stream.linear.gather [hbm4b:s17+s2], $0x5400, $0x38;
	[tilespmem:$0xFC00] =	vst v63  }
0x57: {  	_ =	swait.ge [sflag:s6], $0x5400  }
0x58: {  	[sflag:s6] =	ssyncset.done $0x0  }
0x59: {  	[sflag:s6] =	ssyncadd.s32 $0xFFFFAC00  }
0x5a: {  	[hbm4b:s18+s2] =	stream.linear.scatter [tilespmem:s2], [sflag:$0x4], $0x5400, $0x38;
	[tilespmem:$0xFC00] =	vst v63  }
0x5b: {  	_ =	swait.ge [sflag:s19], $0x5400  }
0x5c: {  	[sflag:s19] =	ssyncset.done $0x0  }
0x5d: {  	[sflag:s19] =	ssyncadd.s32 $0xFFFFAC00  }
0x5e: {  	_ =	swait.ge @p0 [sflag:s20], $0x5400  }
0x5f: {  	[sflag:s20] =	ssyncset.done @p0 $0x0  }
0x60: {  	[sflag:s20] =	ssyncadd.s32 @p0 $0xFFFFAC00  }
0x61: {  	[hbm4b:s21+s22] =	stream.linear.scatter @p0 [tilespmem:s23], [sflag:$0x5], $0x5400, $0x38;
	[tilespmem:$0xFC00] =	vst v63  }
0x62: {  	_ = 	snop  }
0x63: {  	[tilespmem:s26], [sflag:$0x3] =	stream.linear.gather @!p0 [hbm4b:s24+s25], $0x5400, $0x38;
	[tilespmem:$0xFC00] =	vst v63  }
0x64: {  	_ =	swait.ge @!p0 [sflag:s28], $0x5400  }
0x65: {  	[sflag:s28] =	ssyncset.done @!p0 $0x0  }
0x66: {  	[sflag:s28] =	ssyncadd.s32 @!p0 $0xFFFFAC00  }
0x67: {  	[hbm4b:s21+s25] =	stream.linear.scatter @!p0 [tilespmem:s29], [sflag:$0x5], $0x5400, $0x38;
	[tilespmem:$0xFC00] =	vst v63  }
0x68: {  	_ =	swait.ge @!p0 [sflag:s30], $0x5400  }
0x69: {  	[sflag:s30] =	ssyncset.done @!p0 $0x0  }
0x6a: {  	[sflag:s30] =	ssyncadd.s32 @!p0 $0xFFFFAC00  }
0x6b: {  	[hbm4b:s31+s25] =	stream.linear.scatter @!p0 [tilespmem:s26], [sflag:$0x6], $0x5400, $0x38;
	[tilespmem:$0xFC00] =	vst v63  }
0x6c: {  	_ =	swait.ge [sflag:s12], $0x5400  }
0x6d: {  	[sflag:s12] =	ssyncset.done $0x0  }
0x6e: {  	[sflag:s12] =	ssyncadd.s32 $0xFFFFAC00  }
.Ltmp1:
0x6f: {  	_ =	swait.ge [sflag:s16], $0x5400;
	(pc) =	sbr.rel @p1 .LBB2_1-.Ltmp1, $4  }
0x70: {  	[sflag:s16] =	ssyncset.done $0x0  }
0x71: {  	[sflag:s16] =	ssyncadd.s32 $0xFFFFAC00  }
0x72: {  	_ =	swait.ge @!p0 [sflag:s1], $0x5400  }
0x73: {  	[sflag:s1] =	ssyncset.done @!p0 $0x0  }
.LBB2_2:
0x74: {  	[sflag:s1] =	ssyncadd.s32 @!p0 $0xFFFFAC00  }
0x75: {  	_ =	sfence.sel $0x180000  }
0x76: {  	[bflag:$0x0] =	sbarrier.arrive $0xFFFF  }
0x77: {  	_ =	strace $0x90000047  }
0x78: {  	s0 =	stileid.u32;
	[bflag:$0x2] =	sbarrier.arrive $0xFFFF  }
0x79: {  	p0 =	sne.s32 s0, $0x0;
	s0 =	rddreg [dreg:$0x2]  }
0x7a: {  	s0 =	sadd.s32 @!p0 $0x100000, s0  }
0x7b: {  	[sflag:s0] =	ssyncadd.tile.s32 @!p0 $0x1;
	_ =	shalt  }
.Lfunc_end2:
_tile_overlayer_lowered:
.L_overlay_start_2:
0x7c: {  	(tag) =	ssettag $0x2  }
0x7d: {  	s0 =	rddreg [dreg:$0x0];
	s2 =	stileid.u32  }
0x7e: {  	s1 =	rddreg [dreg:$0x1];
	p0 =	sne.s32 s2, $0x0  }
0x7f: {  	s3 =	rddreg [dreg:$0x2];
	[bflag:$0x3] =	sbarrier.arrive $0xFFFF;
	s2 =	simm.s32 @!p0 $0x1C07  }
0x80: {  	[timem:s3], [sflag:s2] =	dma.local @!p0 [hbm:s0], s1  }
0x81: {  	s0 =	simm.s32 @!p0 $0x7  }
0x82: {  	_ =	swait.ge @!p0 [sflag:s0], s1  }
0x83: {  	s1 =	ssub.s32 @!p0 $0x0, s1;
	[sflag:s0] =	ssyncset.done @!p0 $0x0  }
0x84: {  	[sflag:s0] =	ssyncadd.s32 @!p0 s1  }
0x85: {  	[bflag:$0x3] =	sbarrier.arrive $0xFFFF  }
0x86: {  	_ =	shalt  }

</sc_bundles>
